<compile_context>
chip_gen: v7x
topology: tpu7x:2x2x1
jax: 0.10.2.dev20260603
libtpu: 0.0.44.dev20260713+nightly
codegen_flags: <defaults>
</compile_context>

<pallas_src>
import functools

import jax
import jax.numpy as jnp
from jax import lax
from jax.experimental import pallas as pl
from jax.experimental.pallas import tpu as pltpu
from jax.experimental.pallas import tpu_sc as plsc

_info = plsc.get_sparse_core_info()
NC, NS, L = _info.num_cores, _info.num_subcores, _info.num_lanes
NW = NC * NS

CH = 128
K = 1
NBUF = 5


@functools.partial(jax.jit, static_argnames=("G",))
def _embedding_gather(idx, table, G):
    V, D = table.shape
    N = NW * G * CH
    nblk = G // K
    assert nblk % NBUF == 0 and nblk >= 2 * NBUF
    mesh = plsc.VectorSubcoreMesh(core_axis_name="c", subcore_axis_name="s")

    @functools.partial(
        pl.kernel,
        out_type=jax.ShapeDtypeStruct((N, D), jnp.float32),
        mesh=mesh,
        scratch_types=[
            pltpu.VMEM((G * CH,), jnp.int32),
            [pltpu.VMEM((K * CH, D), jnp.float32) for _ in range(NBUF)],
            [pltpu.SemaphoreType.DMA for _ in range(NBUF)],
            [pltpu.SemaphoreType.DMA for _ in range(NBUF)],
        ],
    )
    def k(idx_hbm, table_hbm, out_hbm, idx_v, rows, gsem, osem):
        wid = lax.axis_index("s") * NC + lax.axis_index("c")
        base = wid * (G * CH)
        pltpu.sync_copy(idx_hbm.at[wid], idx_v)

        def issue_gathers(blk, p):
            for j in range(K):
                pltpu.async_copy(
                    table_hbm.at[idx_v.at[pl.ds((blk * K + j) * CH, CH)]],
                    rows[p].at[pl.ds(j * CH, CH)],
                    gsem[p],
                )

        def drain_gathers(p):
            pltpu.make_async_copy(
                table_hbm.at[pl.ds(0, K * CH)], rows[p], gsem[p]
            ).wait()

        def out_slice(blk):
            return out_hbm.at[pl.ds(base + blk * (K * CH), K * CH)]

        def issue_out(blk, p):
            pltpu.async_copy(rows[p], out_slice(blk), osem[p])

        def drain_out(blk, p):
            pltpu.make_async_copy(rows[p], out_slice(blk), osem[p]).wait()

        issue_gathers(0, 0)
        for blk in range(1, NBUF):
            issue_gathers(blk, blk)
            drain_gathers(blk - 1)
            issue_out(blk - 1, blk - 1)

        @pl.loop(0, (nblk - NBUF) // NBUF)
        def _(grp):
            for q in range(NBUF):
                blk = NBUF + grp * NBUF + q
                drain_out(blk - NBUF, q)
                issue_gathers(blk, q)
                drain_gathers((q - 1) % NBUF)
                issue_out(blk - 1, (q - 1) % NBUF)

        p_last = (nblk - 1) % NBUF
        drain_gathers(p_last)
        issue_out(nblk - 1, p_last)
        for blk in range(nblk - NBUF, nblk):
            drain_out(blk, blk % NBUF)

    return k(idx, table)


def kernel(input_sequences, table):
    B, S = input_sequences.shape
    V, D = table.shape
    N = B * S
    assert N % (NW * CH) == 0
    G = N // (NW * CH)
    idx = input_sequences.reshape(NW, G * CH).astype(jnp.int32)
    out = _embedding_gather(idx, table, G)
    return out.reshape(B, S, D)

# --- scband reference (transcript-rebuilt; emitter-appended) ---
"""Pipeline reference for scband-word2-vec-embedding-layer-69947837382805 (READ-ONLY COPY).

The authoritative reference and input builder live on the scoring server;
editing this copy changes nothing except your own understanding.
"""

import jax, jax.numpy as jnp
import numpy as np

VOCAB = 100000
EMBED_DIM = 128
BATCH = 4096
SEQ = 200
PAD_IDX = 0

def setup_inputs(seed: int = 0) -> dict:
    key = jax.random.key(seed)
    k1, k2 = jax.random.split(key)
    input_sequences = jax.random.randint(k1, (BATCH, SEQ), 0, VOCAB, dtype=jnp.int64 if jax.config.jax_enable_x64 else jnp.int32)
    # Embedding table; padding row zeroed like nn.Embedding(padding_idx=0)
    table = jax.random.normal(k2, (VOCAB, EMBED_DIM), dtype=jnp.float32) * 0.1
    table = table.at[PAD_IDX].set(0.0)
    return {"input_sequences": input_sequences, "table": table}

def reference(input_sequences, table):
    # nn.Embedding forward: gather rows of the table
    return jnp.take(table, input_sequences, axis=0)

if __name__ == "__main__":
    import jax
    _d = setup_inputs()
    print(jax.jit(kernel)(*tuple(_d.values())))

</pallas_src>

<mosaic_0001>
#map = affine_map<(d0, d1) -> (0, 0)>
module attributes {stable_mosaic.version = 14 : i64} {
  func.func @k(%arg0: i32, %arg1: i32, %arg2: memref<32x25600xi32, #tpu.memory_space<hbm>>, %arg3: memref<100000x128xf32, #tpu.memory_space<hbm>>, %arg4: memref<819200x128xf32, #tpu.memory_space<hbm>>, %arg5: memref<25600xi32, #tpu.memory_space<vmem>>, %arg6: memref<128x128xf32, #tpu.memory_space<vmem>>, %arg7: memref<128x128xf32, #tpu.memory_space<vmem>>, %arg8: memref<128x128xf32, #tpu.memory_space<vmem>>, %arg9: memref<128x128xf32, #tpu.memory_space<vmem>>, %arg10: memref<128x128xf32, #tpu.memory_space<vmem>>, %arg11: memref<!tpu.dma_semaphore, #tpu.memory_space<semaphore_mem>>, %arg12: memref<!tpu.dma_semaphore, #tpu.memory_space<semaphore_mem>>, %arg13: memref<!tpu.dma_semaphore, #tpu.memory_space<semaphore_mem>>, %arg14: memref<!tpu.dma_semaphore, #tpu.memory_space<semaphore_mem>>, %arg15: memref<!tpu.dma_semaphore, #tpu.memory_space<semaphore_mem>>, %arg16: memref<!tpu.dma_semaphore, #tpu.memory_space<semaphore_mem>>, %arg17: memref<!tpu.dma_semaphore, #tpu.memory_space<semaphore_mem>>, %arg18: memref<!tpu.dma_semaphore, #tpu.memory_space<semaphore_mem>>, %arg19: memref<!tpu.dma_semaphore, #tpu.memory_space<semaphore_mem>>, %arg20: memref<!tpu.dma_semaphore, #tpu.memory_space<semaphore_mem>>) attributes {dimension_semantics = [#tpu.dimension_semantics<core_parallel>, #tpu.dimension_semantics<subcore_parallel>], iteration_bounds = array<i64: 2, 16>, scalar_prefetch = 0 : i64, scratch_operands = 16 : i64, tpu.core_type = #tpu.core_type<sc_vector_subcore>, window_params = [{transform_indices = #map}, {transform_indices = #map}, {transform_indices = #map}]} {
    %mul3A = arith.constant 2 : i32
    %mul3A_0 = arith.muli %arg1, %mul3A : i32
    %add3A = arith.addi %mul3A_0, %arg0 : i32
    %mul3A_1 = arith.constant 25600 : i32
    %mul3A_2 = arith.muli %add3A, %mul3A_1 : i32
    "tpu.region"() ({
      %run_scoped3A = tpu.sem_alloc : memref<!tpu.dma_semaphore, #tpu.memory_space<semaphore_mem>>
      %dma_start3A_135 = arith.constant 0 : i32
      %dma_start3A_136 = tpu.memref_slice %arg2[%add3A, %dma_start3A_135] : memref<32x25600xi32, #tpu.memory_space<hbm>> -> memref<1x25600xi32, #tpu.memory_space<hbm>>
      %dma_start3A_137 = tpu.memref_squeeze %dma_start3A_136 : memref<1x25600xi32, #tpu.memory_space<hbm>> -> memref<25600xi32, #tpu.memory_space<hbm>>
      %dma_start3A_138 = arith.constant 0 : i32
      %dma_start3A_139 = tpu.memref_slice %arg2[%add3A, %dma_start3A_138] : memref<32x25600xi32, #tpu.memory_space<hbm>> -> memref<1x25600xi32, #tpu.memory_space<hbm>>
      %dma_start3A_140 = tpu.memref_squeeze %dma_start3A_139 : memref<1x25600xi32, #tpu.memory_space<hbm>> -> memref<25600xi32, #tpu.memory_space<hbm>>
      tpu.enqueue_dma source(%dma_start3A_140 : memref<25600xi32, #tpu.memory_space<hbm>>) target(%arg5 : memref<25600xi32, #tpu.memory_space<vmem>>) target_semaphore(%run_scoped3A : memref<!tpu.dma_semaphore, #tpu.memory_space<semaphore_mem>>)
      %dma_wait3A_141 = arith.constant 0 : i32
      %dma_wait3A_142 = tpu.memref_slice %arg2[%add3A, %dma_wait3A_141] : memref<32x25600xi32, #tpu.memory_space<hbm>> -> memref<1x25600xi32, #tpu.memory_space<hbm>>
      %dma_wait3A_143 = tpu.memref_squeeze %dma_wait3A_142 : memref<1x25600xi32, #tpu.memory_space<hbm>> -> memref<25600xi32, #tpu.memory_space<hbm>>
      %dma_wait3A_144 = arith.constant 0 : i32
      %dma_wait3A_145 = tpu.memref_slice %arg2[%add3A, %dma_wait3A_144] : memref<32x25600xi32, #tpu.memory_space<hbm>> -> memref<1x25600xi32, #tpu.memory_space<hbm>>
      %dma_wait3A_146 = tpu.memref_squeeze %dma_wait3A_145 : memref<1x25600xi32, #tpu.memory_space<hbm>> -> memref<25600xi32, #tpu.memory_space<hbm>>
      tpu.wait_dma2 semaphore(%run_scoped3A : memref<!tpu.dma_semaphore, #tpu.memory_space<semaphore_mem>>) src(%dma_wait3A_146 : memref<25600xi32, #tpu.memory_space<hbm>>) dst(%arg5 : memref<25600xi32, #tpu.memory_space<vmem>>)
      tpu.yield
    }) : () -> ()
    %dma_start3A = arith.constant 0 : i32
    %dma_start3A_3 = arith.constant 0 : i32
    %dma_start3A_4 = tpu.memref_slice %arg6[%dma_start3A, %dma_start3A_3] : memref<128x128xf32, #tpu.memory_space<vmem>> -> memref<128x128xf32, #tpu.memory_space<vmem>>
    %dma_start3A_5 = arith.constant 0 : i32
    %dma_start3A_6 = tpu.memref_slice %arg5[%dma_start3A_5] : memref<25600xi32, #tpu.memory_space<vmem>> -> memref<128xi32, #tpu.memory_space<vmem>>
    %dma_start3A_7 = arith.constant 0 : i32
    %dma_start3A_8 = arith.constant 0 : i32
    %dma_start3A_9 = tpu.memref_slice %arg3[%dma_start3A_7, %dma_start3A_8] : memref<100000x128xf32, #tpu.memory_space<hbm>> -> memref<100000x128xf32, #tpu.memory_space<hbm>>
    tpu.enqueue_indirect_dma source(%dma_start3A_9 : memref<100000x128xf32, #tpu.memory_space<hbm>>) target(%dma_start3A_4 : memref<128x128xf32, #tpu.memory_space<vmem>>) offsets(%dma_start3A_6 : memref<128xi32, #tpu.memory_space<vmem>>) semaphore(%arg11 : memref<!tpu.dma_semaphore, #tpu.memory_space<semaphore_mem>>)
    %dma_start3A_10 = arith.constant 0 : i32
    %dma_start3A_11 = arith.constant 0 : i32
    %dma_start3A_12 = tpu.memref_slice %arg7[%dma_start3A_10, %dma_start3A_11] : memref<128x128xf32, #tpu.memory_space<vmem>> -> memref<128x128xf32, #tpu.memory_space<vmem>>
    %dma_start3A_13 = arith.constant 128 : i32
    %dma_start3A_14 = tpu.memref_slice %arg5[%dma_start3A_13] : memref<25600xi32, #tpu.memory_space<vmem>> -> memref<128xi32, #tpu.memory_space<vmem>>
    %dma_start3A_15 = arith.constant 0 : i32
    %dma_start3A_16 = arith.constant 0 : i32
    %dma_start3A_17 = tpu.memref_slice %arg3[%dma_start3A_15, %dma_start3A_16] : memref<100000x128xf32, #tpu.memory_space<hbm>> -> memref<100000x128xf32, #tpu.memory_space<hbm>>
    tpu.enqueue_indirect_dma source(%dma_start3A_17 : memref<100000x128xf32, #tpu.memory_space<hbm>>) target(%dma_start3A_12 : memref<128x128xf32, #tpu.memory_space<vmem>>) offsets(%dma_start3A_14 : memref<128xi32, #tpu.memory_space<vmem>>) semaphore(%arg12 : memref<!tpu.dma_semaphore, #tpu.memory_space<semaphore_mem>>)
    %dma_wait3A = arith.constant 0 : i32
    %dma_wait3A_18 = arith.constant 0 : i32
    %dma_wait3A_19 = tpu.memref_slice %arg3[%dma_wait3A, %dma_wait3A_18] : memref<100000x128xf32, #tpu.memory_space<hbm>> -> memref<128x128xf32, #tpu.memory_space<hbm>>
    %dma_wait3A_20 = arith.constant 0 : i32
    %dma_wait3A_21 = arith.constant 0 : i32
    %dma_wait3A_22 = tpu.memref_slice %arg3[%dma_wait3A_20, %dma_wait3A_21] : memref<100000x128xf32, #tpu.memory_space<hbm>> -> memref<128x128xf32, #tpu.memory_space<hbm>>
    tpu.wait_dma2 semaphore(%arg11 : memref<!tpu.dma_semaphore, #tpu.memory_space<semaphore_mem>>) src(%dma_wait3A_22 : memref<128x128xf32, #tpu.memory_space<hbm>>) dst(%arg6 : memref<128x128xf32, #tpu.memory_space<vmem>>)
    %add3A_23 = arith.constant 0 : i32
    %add3A_24 = arith.addi %mul3A_2, %add3A_23 : i32
    %dma_start3A_25 = arith.constant 0 : i32
    %dma_start3A_26 = tpu.memref_slice %arg4[%add3A_24, %dma_start3A_25] : memref<819200x128xf32, #tpu.memory_space<hbm>> -> memref<128x128xf32, #tpu.memory_space<hbm>>
    %dma_start3A_27 = arith.constant 0 : i32
    %dma_start3A_28 = tpu.memref_slice %arg4[%add3A_24, %dma_start3A_27] : memref<819200x128xf32, #tpu.memory_space<hbm>> -> memref<128x128xf32, #tpu.memory_space<hbm>>
    tpu.enqueue_dma source(%arg6 : memref<128x128xf32, #tpu.memory_space<vmem>>) target(%dma_start3A_28 : memref<128x128xf32, #tpu.memory_space<hbm>>) target_semaphore(%arg16 : memref<!tpu.dma_semaphore, #tpu.memory_space<semaphore_mem>>)
    %dma_start3A_29 = arith.constant 0 : i32
    %dma_start3A_30 = arith.constant 0 : i32
    %dma_start3A_31 = tpu.memref_slice %arg8[%dma_start3A_29, %dma_start3A_30] : memref<128x128xf32, #tpu.memory_space<vmem>> -> memref<128x128xf32, #tpu.memory_space<vmem>>
    %dma_start3A_32 = arith.constant 256 : i32
    %dma_start3A_33 = tpu.memref_slice %arg5[%dma_start3A_32] : memref<25600xi32, #tpu.memory_space<vmem>> -> memref<128xi32, #tpu.memory_space<vmem>>
    %dma_start3A_34 = arith.constant 0 : i32
    %dma_start3A_35 = arith.constant 0 : i32
    %dma_start3A_36 = tpu.memref_slice %arg3[%dma_start3A_34, %dma_start3A_35] : memref<100000x128xf32, #tpu.memory_space<hbm>> -> memref<100000x128xf32, #tpu.memory_space<hbm>>
    tpu.enqueue_indirect_dma source(%dma_start3A_36 : memref<100000x128xf32, #tpu.memory_space<hbm>>) target(%dma_start3A_31 : memref<128x128xf32, #tpu.memory_space<vmem>>) offsets(%dma_start3A_33 : memref<128xi32, #tpu.memory_space<vmem>>) semaphore(%arg13 : memref<!tpu.dma_semaphore, #tpu.memory_space<semaphore_mem>>)
    %dma_wait3A_37 = arith.constant 0 : i32
    %dma_wait3A_38 = arith.constant 0 : i32
    %dma_wait3A_39 = tpu.memref_slice %arg3[%dma_wait3A_37, %dma_wait3A_38] : memref<100000x128xf32, #tpu.memory_space<hbm>> -> memref<128x128xf32, #tpu.memory_space<hbm>>
    %dma_wait3A_40 = arith.constant 0 : i32
    %dma_wait3A_41 = arith.constant 0 : i32
    %dma_wait3A_42 = tpu.memref_slice %arg3[%dma_wait3A_40, %dma_wait3A_41] : memref<100000x128xf32, #tpu.memory_space<hbm>> -> memref<128x128xf32, #tpu.memory_space<hbm>>
    tpu.wait_dma2 semaphore(%arg12 : memref<!tpu.dma_semaphore, #tpu.memory_space<semaphore_mem>>) src(%dma_wait3A_42 : memref<128x128xf32, #tpu.memory_space<hbm>>) dst(%arg7 : memref<128x128xf32, #tpu.memory_space<vmem>>)
    %add3A_43 = arith.constant 128 : i32
    %add3A_44 = arith.addi %mul3A_2, %add3A_43 : i32
    %dma_start3A_45 = arith.constant 0 : i32
    %dma_start3A_46 = tpu.memref_slice %arg4[%add3A_44, %dma_start3A_45] : memref<819200x128xf32, #tpu.memory_space<hbm>> -> memref<128x128xf32, #tpu.memory_space<hbm>>
    %dma_start3A_47 = arith.constant 0 : i32
    %dma_start3A_48 = tpu.memref_slice %arg4[%add3A_44, %dma_start3A_47] : memref<819200x128xf32, #tpu.memory_space<hbm>> -> memref<128x128xf32, #tpu.memory_space<hbm>>
    tpu.enqueue_dma source(%arg7 : memref<128x128xf32, #tpu.memory_space<vmem>>) target(%dma_start3A_48 : memref<128x128xf32, #tpu.memory_space<hbm>>) target_semaphore(%arg17 : memref<!tpu.dma_semaphore, #tpu.memory_space<semaphore_mem>>)
    %dma_start3A_49 = arith.constant 0 : i32
    %dma_start3A_50 = arith.constant 0 : i32
    %dma_start3A_51 = tpu.memref_slice %arg9[%dma_start3A_49, %dma_start3A_50] : memref<128x128xf32, #tpu.memory_space<vmem>> -> memref<128x128xf32, #tpu.memory_space<vmem>>
    %dma_start3A_52 = arith.constant 384 : i32
    %dma_start3A_53 = tpu.memref_slice %arg5[%dma_start3A_52] : memref<25600xi32, #tpu.memory_space<vmem>> -> memref<128xi32, #tpu.memory_space<vmem>>
    %dma_start3A_54 = arith.constant 0 : i32
    %dma_start3A_55 = arith.constant 0 : i32
    %dma_start3A_56 = tpu.memref_slice %arg3[%dma_start3A_54, %dma_start3A_55] : memref<100000x128xf32, #tpu.memory_space<hbm>> -> memref<100000x128xf32, #tpu.memory_space<hbm>>
    tpu.enqueue_indirect_dma source(%dma_start3A_56 : memref<100000x128xf32, #tpu.memory_space<hbm>>) target(%dma_start3A_51 : memref<128x128xf32, #tpu.memory_space<vmem>>) offsets(%dma_start3A_53 : memref<128xi32, #tpu.memory_space<vmem>>) semaphore(%arg14 : memref<!tpu.dma_semaphore, #tpu.memory_space<semaphore_mem>>)
    %dma_wait3A_57 = arith.constant 0 : i32
    %dma_wait3A_58 = arith.constant 0 : i32
    %dma_wait3A_59 = tpu.memref_slice %arg3[%dma_wait3A_57, %dma_wait3A_58] : memref<100000x128xf32, #tpu.memory_space<hbm>> -> memref<128x128xf32, #tpu.memory_space<hbm>>
    %dma_wait3A_60 = arith.constant 0 : i32
    %dma_wait3A_61 = arith.constant 0 : i32
    %dma_wait3A_62 = tpu.memref_slice %arg3[%dma_wait3A_60, %dma_wait3A_61] : memref<100000x128xf32, #tpu.memory_space<hbm>> -> memref<128x128xf32, #tpu.memory_space<hbm>>
    tpu.wait_dma2 semaphore(%arg13 : memref<!tpu.dma_semaphore, #tpu.memory_space<semaphore_mem>>) src(%dma_wait3A_62 : memref<128x128xf32, #tpu.memory_space<hbm>>) dst(%arg8 : memref<128x128xf32, #tpu.memory_space<vmem>>)
    %add3A_63 = arith.constant 256 : i32
    %add3A_64 = arith.addi %mul3A_2, %add3A_63 : i32
    %dma_start3A_65 = arith.constant 0 : i32
    %dma_start3A_66 = tpu.memref_slice %arg4[%add3A_64, %dma_start3A_65] : memref<819200x128xf32, #tpu.memory_space<hbm>> -> memref<128x128xf32, #tpu.memory_space<hbm>>
    %dma_start3A_67 = arith.constant 0 : i32
    %dma_start3A_68 = tpu.memref_slice %arg4[%add3A_64, %dma_start3A_67] : memref<819200x128xf32, #tpu.memory_space<hbm>> -> memref<128x128xf32, #tpu.memory_space<hbm>>
    tpu.enqueue_dma source(%arg8 : memref<128x128xf32, #tpu.memory_space<vmem>>) target(%dma_start3A_68 : memref<128x128xf32, #tpu.memory_space<hbm>>) target_semaphore(%arg18 : memref<!tpu.dma_semaphore, #tpu.memory_space<semaphore_mem>>)
    %dma_start3A_69 = arith.constant 0 : i32
    %dma_start3A_70 = arith.constant 0 : i32
    %dma_start3A_71 = tpu.memref_slice %arg10[%dma_start3A_69, %dma_start3A_70] : memref<128x128xf32, #tpu.memory_space<vmem>> -> memref<128x128xf32, #tpu.memory_space<vmem>>
    %dma_start3A_72 = arith.constant 512 : i32
    %dma_start3A_73 = tpu.memref_slice %arg5[%dma_start3A_72] : memref<25600xi32, #tpu.memory_space<vmem>> -> memref<128xi32, #tpu.memory_space<vmem>>
    %dma_start3A_74 = arith.constant 0 : i32
    %dma_start3A_75 = arith.constant 0 : i32
    %dma_start3A_76 = tpu.memref_slice %arg3[%dma_start3A_74, %dma_start3A_75] : memref<100000x128xf32, #tpu.memory_space<hbm>> -> memref<100000x128xf32, #tpu.memory_space<hbm>>
    tpu.enqueue_indirect_dma source(%dma_start3A_76 : memref<100000x128xf32, #tpu.memory_space<hbm>>) target(%dma_start3A_71 : memref<128x128xf32, #tpu.memory_space<vmem>>) offsets(%dma_start3A_73 : memref<128xi32, #tpu.memory_space<vmem>>) semaphore(%arg15 : memref<!tpu.dma_semaphore, #tpu.memory_space<semaphore_mem>>)
    %dma_wait3A_77 = arith.constant 0 : i32
    %dma_wait3A_78 = arith.constant 0 : i32
    %dma_wait3A_79 = tpu.memref_slice %arg3[%dma_wait3A_77, %dma_wait3A_78] : memref<100000x128xf32, #tpu.memory_space<hbm>> -> memref<128x128xf32, #tpu.memory_space<hbm>>
    %dma_wait3A_80 = arith.constant 0 : i32
    %dma_wait3A_81 = arith.constant 0 : i32
    %dma_wait3A_82 = tpu.memref_slice %arg3[%dma_wait3A_80, %dma_wait3A_81] : memref<100000x128xf32, #tpu.memory_space<hbm>> -> memref<128x128xf32, #tpu.memory_space<hbm>>
    tpu.wait_dma2 semaphore(%arg14 : memref<!tpu.dma_semaphore, #tpu.memory_space<semaphore_mem>>) src(%dma_wait3A_82 : memref<128x128xf32, #tpu.memory_space<hbm>>) dst(%arg9 : memref<128x128xf32, #tpu.memory_space<vmem>>)
    %add3A_83 = arith.constant 384 : i32
    %add3A_84 = arith.addi %mul3A_2, %add3A_83 : i32
    %dma_start3A_85 = arith.constant 0 : i32
    %dma_start3A_86 = tpu.memref_slice %arg4[%add3A_84, %dma_start3A_85] : memref<819200x128xf32, #tpu.memory_space<hbm>> -> memref<128x128xf32, #tpu.memory_space<hbm>>
    %dma_start3A_87 = arith.constant 0 : i32
    %dma_start3A_88 = tpu.memref_slice %arg4[%add3A_84, %dma_start3A_87] : memref<819200x128xf32, #tpu.memory_space<hbm>> -> memref<128x128xf32, #tpu.memory_space<hbm>>
    tpu.enqueue_dma source(%arg9 : memref<128x128xf32, #tpu.memory_space<vmem>>) target(%dma_start3A_88 : memref<128x128xf32, #tpu.memory_space<hbm>>) target_semaphore(%arg19 : memref<!tpu.dma_semaphore, #tpu.memory_space<semaphore_mem>>)
    %scan3A = arith.constant 0 : i32
    %scan3A_89 = arith.constant 39 : i32
    %scan3A_90 = arith.addi %scan3A, %scan3A_89 : i32
    %scan3A_91 = arith.constant 1 : i32
    scf.for %scan3A_135 = %scan3A to %scan3A_90 step %scan3A_91  : i32 {
      %mul3A_136 = arith.constant 1 : i32
      %mul3A_137 = arith.muli %scan3A_135, %mul3A_136 : i32
      %add3A_138 = arith.constant 0 : i32
      %add3A_139 = arith.addi %add3A_138, %mul3A_137 : i32
      %mul3A_140 = arith.constant 5 : i32
      %mul3A_141 = arith.muli %add3A_139, %mul3A_140 : i32
      %add3A_142 = arith.constant 5 : i32
      %add3A_143 = arith.addi %add3A_142, %mul3A_141 : i32
      %add3A_144 = arith.constant 0 : i32
      %add3A_145 = arith.addi %add3A_143, %add3A_144 : i32
      %sub3A = arith.constant 5 : i32
      %sub3A_146 = arith.subi %add3A_145, %sub3A : i32
      %mul3A_147 = arith.constant 128 : i32
      %mul3A_148 = arith.muli %sub3A_146, %mul3A_147 : i32
      %add3A_149 = arith.addi %mul3A_2, %mul3A_148 : i32
      %dma_wait3A_150 = arith.constant 0 : i32
      %dma_wait3A_151 = tpu.memref_slice %arg4[%add3A_149, %dma_wait3A_150] : memref<819200x128xf32, #tpu.memory_space<hbm>> -> memref<128x128xf32, #tpu.memory_space<hbm>>
      %dma_wait3A_152 = arith.constant 0 : i32
      %dma_wait3A_153 = tpu.memref_slice %arg4[%add3A_149, %dma_wait3A_152] : memref<819200x128xf32, #tpu.memory_space<hbm>> -> memref<128x128xf32, #tpu.memory_space<hbm>>
      tpu.wait_dma2 semaphore(%arg16 : memref<!tpu.dma_semaphore, #tpu.memory_space<semaphore_mem>>) src(%arg6 : memref<128x128xf32, #tpu.memory_space<vmem>>) dst(%dma_wait3A_153 : memref<128x128xf32, #tpu.memory_space<hbm>>)
      %mul3A_154 = arith.constant 1 : i32
      %mul3A_155 = arith.muli %add3A_145, %mul3A_154 : i32
      %add3A_156 = arith.constant 0 : i32
      %add3A_157 = arith.addi %mul3A_155, %add3A_156 : i32
      %mul3A_158 = arith.constant 128 : i32
      %mul3A_159 = arith.muli %add3A_157, %mul3A_158 : i32
      %dma_start3A_160 = arith.constant 0 : i32
      %dma_start3A_161 = arith.constant 0 : i32
      %dma_start3A_162 = tpu.memref_slice %arg6[%dma_start3A_160, %dma_start3A_161] : memref<128x128xf32, #tpu.memory_space<vmem>> -> memref<128x128xf32, #tpu.memory_space<vmem>>
      %dma_start3A_163 = tpu.memref_slice %arg5[%mul3A_159] : memref<25600xi32, #tpu.memory_space<vmem>> -> memref<128xi32, #tpu.memory_space<vmem>>
      %dma_start3A_164 = arith.constant 0 : i32
      %dma_start3A_165 = arith.constant 0 : i32
      %dma_start3A_166 = tpu.memref_slice %arg3[%dma_start3A_164, %dma_start3A_165] : memref<100000x128xf32, #tpu.memory_space<hbm>> -> memref<100000x128xf32, #tpu.memory_space<hbm>>
      tpu.enqueue_indirect_dma source(%dma_start3A_166 : memref<100000x128xf32, #tpu.memory_space<hbm>>) target(%dma_start3A_162 : memref<128x128xf32, #tpu.memory_space<vmem>>) offsets(%dma_start3A_163 : memref<128xi32, #tpu.memory_space<vmem>>) semaphore(%arg11 : memref<!tpu.dma_semaphore, #tpu.memory_space<semaphore_mem>>)
      %dma_wait3A_167 = arith.constant 0 : i32
      %dma_wait3A_168 = arith.constant 0 : i32
      %dma_wait3A_169 = tpu.memref_slice %arg3[%dma_wait3A_167, %dma_wait3A_168] : memref<100000x128xf32, #tpu.memory_space<hbm>> -> memref<128x128xf32, #tpu.memory_space<hbm>>
      %dma_wait3A_170 = arith.constant 0 : i32
      %dma_wait3A_171 = arith.constant 0 : i32
      %dma_wait3A_172 = tpu.memref_slice %arg3[%dma_wait3A_170, %dma_wait3A_171] : memref<100000x128xf32, #tpu.memory_space<hbm>> -> memref<128x128xf32, #tpu.memory_space<hbm>>
      tpu.wait_dma2 semaphore(%arg15 : memref<!tpu.dma_semaphore, #tpu.memory_space<semaphore_mem>>) src(%dma_wait3A_172 : memref<128x128xf32, #tpu.memory_space<hbm>>) dst(%arg10 : memref<128x128xf32, #tpu.memory_space<vmem>>)
      %sub3A_173 = arith.constant 1 : i32
      %sub3A_174 = arith.subi %add3A_145, %sub3A_173 : i32
      %mul3A_175 = arith.constant 128 : i32
      %mul3A_176 = arith.muli %sub3A_174, %mul3A_175 : i32
      %add3A_177 = arith.addi %mul3A_2, %mul3A_176 : i32
      %dma_start3A_178 = arith.constant 0 : i32
      %dma_start3A_179 = tpu.memref_slice %arg4[%add3A_177, %dma_start3A_178] : memref<819200x128xf32, #tpu.memory_space<hbm>> -> memref<128x128xf32, #tpu.memory_space<hbm>>
      %dma_start3A_180 = arith.constant 0 : i32
      %dma_start3A_181 = tpu.memref_slice %arg4[%add3A_177, %dma_start3A_180] : memref<819200x128xf32, #tpu.memory_space<hbm>> -> memref<128x128xf32, #tpu.memory_space<hbm>>
      tpu.enqueue_dma source(%arg10 : memref<128x128xf32, #tpu.memory_space<vmem>>) target(%dma_start3A_181 : memref<128x128xf32, #tpu.memory_space<hbm>>) target_semaphore(%arg20 : memref<!tpu.dma_semaphore, #tpu.memory_space<semaphore_mem>>)
      %mul3A_182 = arith.constant 5 : i32
      %mul3A_183 = arith.muli %add3A_139, %mul3A_182 : i32
      %add3A_184 = arith.constant 5 : i32
      %add3A_185 = arith.addi %add3A_184, %mul3A_183 : i32
      %add3A_186 = arith.constant 1 : i32
      %add3A_187 = arith.addi %add3A_185, %add3A_186 : i32
      %sub3A_188 = arith.constant 5 : i32
      %sub3A_189 = arith.subi %add3A_187, %sub3A_188 : i32
      %mul3A_190 = arith.constant 128 : i32
      %mul3A_191 = arith.muli %sub3A_189, %mul3A_190 : i32
      %add3A_192 = arith.addi %mul3A_2, %mul3A_191 : i32
      %dma_wait3A_193 = arith.constant 0 : i32
      %dma_wait3A_194 = tpu.memref_slice %arg4[%add3A_192, %dma_wait3A_193] : memref<819200x128xf32, #tpu.memory_space<hbm>> -> memref<128x128xf32, #tpu.memory_space<hbm>>
      %dma_wait3A_195 = arith.constant 0 : i32
      %dma_wait3A_196 = tpu.memref_slice %arg4[%add3A_192, %dma_wait3A_195] : memref<819200x128xf32, #tpu.memory_space<hbm>> -> memref<128x128xf32, #tpu.memory_space<hbm>>
      tpu.wait_dma2 semaphore(%arg17 : memref<!tpu.dma_semaphore, #tpu.memory_space<semaphore_mem>>) src(%arg7 : memref<128x128xf32, #tpu.memory_space<vmem>>) dst(%dma_wait3A_196 : memref<128x128xf32, #tpu.memory_space<hbm>>)
      %mul3A_197 = arith.constant 1 : i32
      %mul3A_198 = arith.muli %add3A_187, %mul3A_197 : i32
      %add3A_199 = arith.constant 0 : i32
      %add3A_200 = arith.addi %mul3A_198, %add3A_199 : i32
      %mul3A_201 = arith.constant 128 : i32
      %mul3A_202 = arith.muli %add3A_200, %mul3A_201 : i32
      %dma_start3A_203 = arith.constant 0 : i32
      %dma_start3A_204 = arith.constant 0 : i32
      %dma_start3A_205 = tpu.memref_slice %arg7[%dma_start3A_203, %dma_start3A_204] : memref<128x128xf32, #tpu.memory_space<vmem>> -> memref<128x128xf32, #tpu.memory_space<vmem>>
      %dma_start3A_206 = tpu.memref_slice %arg5[%mul3A_202] : memref<25600xi32, #tpu.memory_space<vmem>> -> memref<128xi32, #tpu.memory_space<vmem>>
      %dma_start3A_207 = arith.constant 0 : i32
      %dma_start3A_208 = arith.constant 0 : i32
      %dma_start3A_209 = tpu.memref_slice %arg3[%dma_start3A_207, %dma_start3A_208] : memref<100000x128xf32, #tpu.memory_space<hbm>> -> memref<100000x128xf32, #tpu.memory_space<hbm>>
      tpu.enqueue_indirect_dma source(%dma_start3A_209 : memref<100000x128xf32, #tpu.memory_space<hbm>>) target(%dma_start3A_205 : memref<128x128xf32, #tpu.memory_space<vmem>>) offsets(%dma_start3A_206 : memref<128xi32, #tpu.memory_space<vmem>>) semaphore(%arg12 : memref<!tpu.dma_semaphore, #tpu.memory_space<semaphore_mem>>)
      %dma_wait3A_210 = arith.constant 0 : i32
      %dma_wait3A_211 = arith.constant 0 : i32
      %dma_wait3A_212 = tpu.memref_slice %arg3[%dma_wait3A_210, %dma_wait3A_211] : memref<100000x128xf32, #tpu.memory_space<hbm>> -> memref<128x128xf32, #tpu.memory_space<hbm>>
      %dma_wait3A_213 = arith.constant 0 : i32
      %dma_wait3A_214 = arith.constant 0 : i32
      %dma_wait3A_215 = tpu.memref_slice %arg3[%dma_wait3A_213, %dma_wait3A_214] : memref<100000x128xf32, #tpu.memory_space<hbm>> -> memref<128x128xf32, #tpu.memory_space<hbm>>
      tpu.wait_dma2 semaphore(%arg11 : memref<!tpu.dma_semaphore, #tpu.memory_space<semaphore_mem>>) src(%dma_wait3A_215 : memref<128x128xf32, #tpu.memory_space<hbm>>) dst(%arg6 : memref<128x128xf32, #tpu.memory_space<vmem>>)
      %sub3A_216 = arith.constant 1 : i32
      %sub3A_217 = arith.subi %add3A_187, %sub3A_216 : i32
      %mul3A_218 = arith.constant 128 : i32
      %mul3A_219 = arith.muli %sub3A_217, %mul3A_218 : i32
      %add3A_220 = arith.addi %mul3A_2, %mul3A_219 : i32
      %dma_start3A_221 = arith.constant 0 : i32
      %dma_start3A_222 = tpu.memref_slice %arg4[%add3A_220, %dma_start3A_221] : memref<819200x128xf32, #tpu.memory_space<hbm>> -> memref<128x128xf32, #tpu.memory_space<hbm>>
      %dma_start3A_223 = arith.constant 0 : i32
      %dma_start3A_224 = tpu.memref_slice %arg4[%add3A_220, %dma_start3A_223] : memref<819200x128xf32, #tpu.memory_space<hbm>> -> memref<128x128xf32, #tpu.memory_space<hbm>>
      tpu.enqueue_dma source(%arg6 : memref<128x128xf32, #tpu.memory_space<vmem>>) target(%dma_start3A_224 : memref<128x128xf32, #tpu.memory_space<hbm>>) target_semaphore(%arg16 : memref<!tpu.dma_semaphore, #tpu.memory_space<semaphore_mem>>)
      %mul3A_225 = arith.constant 5 : i32
      %mul3A_226 = arith.muli %add3A_139, %mul3A_225 : i32
      %add3A_227 = arith.constant 5 : i32
      %add3A_228 = arith.addi %add3A_227, %mul3A_226 : i32
      %add3A_229 = arith.constant 2 : i32
      %add3A_230 = arith.addi %add3A_228, %add3A_229 : i32
      %sub3A_231 = arith.constant 5 : i32
      %sub3A_232 = arith.subi %add3A_230, %sub3A_231 : i32
      %mul3A_233 = arith.constant 128 : i32
      %mul3A_234 = arith.muli %sub3A_232, %mul3A_233 : i32
      %add3A_235 = arith.addi %mul3A_2, %mul3A_234 : i32
      %dma_wait3A_236 = arith.constant 0 : i32
      %dma_wait3A_237 = tpu.memref_slice %arg4[%add3A_235, %dma_wait3A_236] : memref<819200x128xf32, #tpu.memory_space<hbm>> -> memref<128x128xf32, #tpu.memory_space<hbm>>
      %dma_wait3A_238 = arith.constant 0 : i32
      %dma_wait3A_239 = tpu.memref_slice %arg4[%add3A_235, %dma_wait3A_238] : memref<819200x128xf32, #tpu.memory_space<hbm>> -> memref<128x128xf32, #tpu.memory_space<hbm>>
      tpu.wait_dma2 semaphore(%arg18 : memref<!tpu.dma_semaphore, #tpu.memory_space<semaphore_mem>>) src(%arg8 : memref<128x128xf32, #tpu.memory_space<vmem>>) dst(%dma_wait3A_239 : memref<128x128xf32, #tpu.memory_space<hbm>>)
      %mul3A_240 = arith.constant 1 : i32
      %mul3A_241 = arith.muli %add3A_230, %mul3A_240 : i32
      %add3A_242 = arith.constant 0 : i32
      %add3A_243 = arith.addi %mul3A_241, %add3A_242 : i32
      %mul3A_244 = arith.constant 128 : i32
      %mul3A_245 = arith.muli %add3A_243, %mul3A_244 : i32
      %dma_start3A_246 = arith.constant 0 : i32
      %dma_start3A_247 = arith.constant 0 : i32
      %dma_start3A_248 = tpu.memref_slice %arg8[%dma_start3A_246, %dma_start3A_247] : memref<128x128xf32, #tpu.memory_space<vmem>> -> memref<128x128xf32, #tpu.memory_space<vmem>>
      %dma_start3A_249 = tpu.memref_slice %arg5[%mul3A_245] : memref<25600xi32, #tpu.memory_space<vmem>> -> memref<128xi32, #tpu.memory_space<vmem>>
      %dma_start3A_250 = arith.constant 0 : i32
      %dma_start3A_251 = arith.constant 0 : i32
      %dma_start3A_252 = tpu.memref_slice %arg3[%dma_start3A_250, %dma_start3A_251] : memref<100000x128xf32, #tpu.memory_space<hbm>> -> memref<100000x128xf32, #tpu.memory_space<hbm>>
      tpu.enqueue_indirect_dma source(%dma_start3A_252 : memref<100000x128xf32, #tpu.memory_space<hbm>>) target(%dma_start3A_248 : memref<128x128xf32, #tpu.memory_space<vmem>>) offsets(%dma_start3A_249 : memref<128xi32, #tpu.memory_space<vmem>>) semaphore(%arg13 : memref<!tpu.dma_semaphore, #tpu.memory_space<semaphore_mem>>)
      %dma_wait3A_253 = arith.constant 0 : i32
      %dma_wait3A_254 = arith.constant 0 : i32
      %dma_wait3A_255 = tpu.memref_slice %arg3[%dma_wait3A_253, %dma_wait3A_254] : memref<100000x128xf32, #tpu.memory_space<hbm>> -> memref<128x128xf32, #tpu.memory_space<hbm>>
      %dma_wait3A_256 = arith.constant 0 : i32
      %dma_wait3A_257 = arith.constant 0 : i32
      %dma_wait3A_258 = tpu.memref_slice %arg3[%dma_wait3A_256, %dma_wait3A_257] : memref<100000x128xf32, #tpu.memory_space<hbm>> -> memref<128x128xf32, #tpu.memory_space<hbm>>
      tpu.wait_dma2 semaphore(%arg12 : memref<!tpu.dma_semaphore, #tpu.memory_space<semaphore_mem>>) src(%dma_wait3A_258 : memref<128x128xf32, #tpu.memory_space<hbm>>) dst(%arg7 : memref<128x128xf32, #tpu.memory_space<vmem>>)
      %sub3A_259 = arith.constant 1 : i32
      %sub3A_260 = arith.subi %add3A_230, %sub3A_259 : i32
      %mul3A_261 = arith.constant 128 : i32
      %mul3A_262 = arith.muli %sub3A_260, %mul3A_261 : i32
      %add3A_263 = arith.addi %mul3A_2, %mul3A_262 : i32
      %dma_start3A_264 = arith.constant 0 : i32
      %dma_start3A_265 = tpu.memref_slice %arg4[%add3A_263, %dma_start3A_264] : memref<819200x128xf32, #tpu.memory_space<hbm>> -> memref<128x128xf32, #tpu.memory_space<hbm>>
      %dma_start3A_266 = arith.constant 0 : i32
      %dma_start3A_267 = tpu.memref_slice %arg4[%add3A_263, %dma_start3A_266] : memref<819200x128xf32, #tpu.memory_space<hbm>> -> memref<128x128xf32, #tpu.memory_space<hbm>>
      tpu.enqueue_dma source(%arg7 : memref<128x128xf32, #tpu.memory_space<vmem>>) target(%dma_start3A_267 : memref<128x128xf32, #tpu.memory_space<hbm>>) target_semaphore(%arg17 : memref<!tpu.dma_semaphore, #tpu.memory_space<semaphore_mem>>)
      %mul3A_268 = arith.constant 5 : i32
      %mul3A_269 = arith.muli %add3A_139, %mul3A_268 : i32
      %add3A_270 = arith.constant 5 : i32
      %add3A_271 = arith.addi %add3A_270, %mul3A_269 : i32
      %add3A_272 = arith.constant 3 : i32
      %add3A_273 = arith.addi %add3A_271, %add3A_272 : i32
      %sub3A_274 = arith.constant 5 : i32
      %sub3A_275 = arith.subi %add3A_273, %sub3A_274 : i32
      %mul3A_276 = arith.constant 128 : i32
      %mul3A_277 = arith.muli %sub3A_275, %mul3A_276 : i32
      %add3A_278 = arith.addi %mul3A_2, %mul3A_277 : i32
      %dma_wait3A_279 = arith.constant 0 : i32
      %dma_wait3A_280 = tpu.memref_slice %arg4[%add3A_278, %dma_wait3A_279] : memref<819200x128xf32, #tpu.memory_space<hbm>> -> memref<128x128xf32, #tpu.memory_space<hbm>>
      %dma_wait3A_281 = arith.constant 0 : i32
      %dma_wait3A_282 = tpu.memref_slice %arg4[%add3A_278, %dma_wait3A_281] : memref<819200x128xf32, #tpu.memory_space<hbm>> -> memref<128x128xf32, #tpu.memory_space<hbm>>
      tpu.wait_dma2 semaphore(%arg19 : memref<!tpu.dma_semaphore, #tpu.memory_space<semaphore_mem>>) src(%arg9 : memref<128x128xf32, #tpu.memory_space<vmem>>) dst(%dma_wait3A_282 : memref<128x128xf32, #tpu.memory_space<hbm>>)
      %mul3A_283 = arith.constant 1 : i32
      %mul3A_284 = arith.muli %add3A_273, %mul3A_283 : i32
      %add3A_285 = arith.constant 0 : i32
      %add3A_286 = arith.addi %mul3A_284, %add3A_285 : i32
      %mul3A_287 = arith.constant 128 : i32
      %mul3A_288 = arith.muli %add3A_286, %mul3A_287 : i32
      %dma_start3A_289 = arith.constant 0 : i32
      %dma_start3A_290 = arith.constant 0 : i32
      %dma_start3A_291 = tpu.memref_slice %arg9[%dma_start3A_289, %dma_start3A_290] : memref<128x128xf32, #tpu.memory_space<vmem>> -> memref<128x128xf32, #tpu.memory_space<vmem>>
      %dma_start3A_292 = tpu.memref_slice %arg5[%mul3A_288] : memref<25600xi32, #tpu.memory_space<vmem>> -> memref<128xi32, #tpu.memory_space<vmem>>
      %dma_start3A_293 = arith.constant 0 : i32
      %dma_start3A_294 = arith.constant 0 : i32
      %dma_start3A_295 = tpu.memref_slice %arg3[%dma_start3A_293, %dma_start3A_294] : memref<100000x128xf32, #tpu.memory_space<hbm>> -> memref<100000x128xf32, #tpu.memory_space<hbm>>
      tpu.enqueue_indirect_dma source(%dma_start3A_295 : memref<100000x128xf32, #tpu.memory_space<hbm>>) target(%dma_start3A_291 : memref<128x128xf32, #tpu.memory_space<vmem>>) offsets(%dma_start3A_292 : memref<128xi32, #tpu.memory_space<vmem>>) semaphore(%arg14 : memref<!tpu.dma_semaphore, #tpu.memory_space<semaphore_mem>>)
      %dma_wait3A_296 = arith.constant 0 : i32
      %dma_wait3A_297 = arith.constant 0 : i32
      %dma_wait3A_298 = tpu.memref_slice %arg3[%dma_wait3A_296, %dma_wait3A_297] : memref<100000x128xf32, #tpu.memory_space<hbm>> -> memref<128x128xf32, #tpu.memory_space<hbm>>
      %dma_wait3A_299 = arith.constant 0 : i32
      %dma_wait3A_300 = arith.constant 0 : i32
      %dma_wait3A_301 = tpu.memref_slice %arg3[%dma_wait3A_299, %dma_wait3A_300] : memref<100000x128xf32, #tpu.memory_space<hbm>> -> memref<128x128xf32, #tpu.memory_space<hbm>>
      tpu.wait_dma2 semaphore(%arg13 : memref<!tpu.dma_semaphore, #tpu.memory_space<semaphore_mem>>) src(%dma_wait3A_301 : memref<128x128xf32, #tpu.memory_space<hbm>>) dst(%arg8 : memref<128x128xf32, #tpu.memory_space<vmem>>)
      %sub3A_302 = arith.constant 1 : i32
      %sub3A_303 = arith.subi %add3A_273, %sub3A_302 : i32
      %mul3A_304 = arith.constant 128 : i32
      %mul3A_305 = arith.muli %sub3A_303, %mul3A_304 : i32
      %add3A_306 = arith.addi %mul3A_2, %mul3A_305 : i32
      %dma_start3A_307 = arith.constant 0 : i32
      %dma_start3A_308 = tpu.memref_slice %arg4[%add3A_306, %dma_start3A_307] : memref<819200x128xf32, #tpu.memory_space<hbm>> -> memref<128x128xf32, #tpu.memory_space<hbm>>
      %dma_start3A_309 = arith.constant 0 : i32
      %dma_start3A_310 = tpu.memref_slice %arg4[%add3A_306, %dma_start3A_309] : memref<819200x128xf32, #tpu.memory_space<hbm>> -> memref<128x128xf32, #tpu.memory_space<hbm>>
      tpu.enqueue_dma source(%arg8 : memref<128x128xf32, #tpu.memory_space<vmem>>) target(%dma_start3A_310 : memref<128x128xf32, #tpu.memory_space<hbm>>) target_semaphore(%arg18 : memref<!tpu.dma_semaphore, #tpu.memory_space<semaphore_mem>>)
      %mul3A_311 = arith.constant 5 : i32
      %mul3A_312 = arith.muli %add3A_139, %mul3A_311 : i32
      %add3A_313 = arith.constant 5 : i32
      %add3A_314 = arith.addi %add3A_313, %mul3A_312 : i32
      %add3A_315 = arith.constant 4 : i32
      %add3A_316 = arith.addi %add3A_314, %add3A_315 : i32
      %sub3A_317 = arith.constant 5 : i32
      %sub3A_318 = arith.subi %add3A_316, %sub3A_317 : i32
      %mul3A_319 = arith.constant 128 : i32
      %mul3A_320 = arith.muli %sub3A_318, %mul3A_319 : i32
      %add3A_321 = arith.addi %mul3A_2, %mul3A_320 : i32
      %dma_wait3A_322 = arith.constant 0 : i32
      %dma_wait3A_323 = tpu.memref_slice %arg4[%add3A_321, %dma_wait3A_322] : memref<819200x128xf32, #tpu.memory_space<hbm>> -> memref<128x128xf32, #tpu.memory_space<hbm>>
      %dma_wait3A_324 = arith.constant 0 : i32
      %dma_wait3A_325 = tpu.memref_slice %arg4[%add3A_321, %dma_wait3A_324] : memref<819200x128xf32, #tpu.memory_space<hbm>> -> memref<128x128xf32, #tpu.memory_space<hbm>>
      tpu.wait_dma2 semaphore(%arg20 : memref<!tpu.dma_semaphore, #tpu.memory_space<semaphore_mem>>) src(%arg10 : memref<128x128xf32, #tpu.memory_space<vmem>>) dst(%dma_wait3A_325 : memref<128x128xf32, #tpu.memory_space<hbm>>)
      %mul3A_326 = arith.constant 1 : i32
      %mul3A_327 = arith.muli %add3A_316, %mul3A_326 : i32
      %add3A_328 = arith.constant 0 : i32
      %add3A_329 = arith.addi %mul3A_327, %add3A_328 : i32
      %mul3A_330 = arith.constant 128 : i32
      %mul3A_331 = arith.muli %add3A_329, %mul3A_330 : i32
      %dma_start3A_332 = arith.constant 0 : i32
      %dma_start3A_333 = arith.constant 0 : i32
      %dma_start3A_334 = tpu.memref_slice %arg10[%dma_start3A_332, %dma_start3A_333] : memref<128x128xf32, #tpu.memory_space<vmem>> -> memref<128x128xf32, #tpu.memory_space<vmem>>
      %dma_start3A_335 = tpu.memref_slice %arg5[%mul3A_331] : memref<25600xi32, #tpu.memory_space<vmem>> -> memref<128xi32, #tpu.memory_space<vmem>>
      %dma_start3A_336 = arith.constant 0 : i32
      %dma_start3A_337 = arith.constant 0 : i32
      %dma_start3A_338 = tpu.memref_slice %arg3[%dma_start3A_336, %dma_start3A_337] : memref<100000x128xf32, #tpu.memory_space<hbm>> -> memref<100000x128xf32, #tpu.memory_space<hbm>>
      tpu.enqueue_indirect_dma source(%dma_start3A_338 : memref<100000x128xf32, #tpu.memory_space<hbm>>) target(%dma_start3A_334 : memref<128x128xf32, #tpu.memory_space<vmem>>) offsets(%dma_start3A_335 : memref<128xi32, #tpu.memory_space<vmem>>) semaphore(%arg15 : memref<!tpu.dma_semaphore, #tpu.memory_space<semaphore_mem>>)
      %dma_wait3A_339 = arith.constant 0 : i32
      %dma_wait3A_340 = arith.constant 0 : i32
      %dma_wait3A_341 = tpu.memref_slice %arg3[%dma_wait3A_339, %dma_wait3A_340] : memref<100000x128xf32, #tpu.memory_space<hbm>> -> memref<128x128xf32, #tpu.memory_space<hbm>>
      %dma_wait3A_342 = arith.constant 0 : i32
      %dma_wait3A_343 = arith.constant 0 : i32
      %dma_wait3A_344 = tpu.memref_slice %arg3[%dma_wait3A_342, %dma_wait3A_343] : memref<100000x128xf32, #tpu.memory_space<hbm>> -> memref<128x128xf32, #tpu.memory_space<hbm>>
      tpu.wait_dma2 semaphore(%arg14 : memref<!tpu.dma_semaphore, #tpu.memory_space<semaphore_mem>>) src(%dma_wait3A_344 : memref<128x128xf32, #tpu.memory_space<hbm>>) dst(%arg9 : memref<128x128xf32, #tpu.memory_space<vmem>>)
      %sub3A_345 = arith.constant 1 : i32
      %sub3A_346 = arith.subi %add3A_316, %sub3A_345 : i32
      %mul3A_347 = arith.constant 128 : i32
      %mul3A_348 = arith.muli %sub3A_346, %mul3A_347 : i32
      %add3A_349 = arith.addi %mul3A_2, %mul3A_348 : i32
      %dma_start3A_350 = arith.constant 0 : i32
      %dma_start3A_351 = tpu.memref_slice %arg4[%add3A_349, %dma_start3A_350] : memref<819200x128xf32, #tpu.memory_space<hbm>> -> memref<128x128xf32, #tpu.memory_space<hbm>>
      %dma_start3A_352 = arith.constant 0 : i32
      %dma_start3A_353 = tpu.memref_slice %arg4[%add3A_349, %dma_start3A_352] : memref<819200x128xf32, #tpu.memory_space<hbm>> -> memref<128x128xf32, #tpu.memory_space<hbm>>
      tpu.enqueue_dma source(%arg9 : memref<128x128xf32, #tpu.memory_space<vmem>>) target(%dma_start3A_353 : memref<128x128xf32, #tpu.memory_space<hbm>>) target_semaphore(%arg19 : memref<!tpu.dma_semaphore, #tpu.memory_space<semaphore_mem>>)
    }
    %scan3A_92 = arith.constant 39 : i32
    %dma_wait3A_93 = arith.constant 0 : i32
    %dma_wait3A_94 = arith.constant 0 : i32
    %dma_wait3A_95 = tpu.memref_slice %arg3[%dma_wait3A_93, %dma_wait3A_94] : memref<100000x128xf32, #tpu.memory_space<hbm>> -> memref<128x128xf32, #tpu.memory_space<hbm>>
    %dma_wait3A_96 = arith.constant 0 : i32
    %dma_wait3A_97 = arith.constant 0 : i32
    %dma_wait3A_98 = tpu.memref_slice %arg3[%dma_wait3A_96, %dma_wait3A_97] : memref<100000x128xf32, #tpu.memory_space<hbm>> -> memref<128x128xf32, #tpu.memory_space<hbm>>
    tpu.wait_dma2 semaphore(%arg15 : memref<!tpu.dma_semaphore, #tpu.memory_space<semaphore_mem>>) src(%dma_wait3A_98 : memref<128x128xf32, #tpu.memory_space<hbm>>) dst(%arg10 : memref<128x128xf32, #tpu.memory_space<vmem>>)
    %add3A_99 = arith.constant 25472 : i32
    %add3A_100 = arith.addi %mul3A_2, %add3A_99 : i32
    %dma_start3A_101 = arith.constant 0 : i32
    %dma_start3A_102 = tpu.memref_slice %arg4[%add3A_100, %dma_start3A_101] : memref<819200x128xf32, #tpu.memory_space<hbm>> -> memref<128x128xf32, #tpu.memory_space<hbm>>
    %dma_start3A_103 = arith.constant 0 : i32
    %dma_start3A_104 = tpu.memref_slice %arg4[%add3A_100, %dma_start3A_103] : memref<819200x128xf32, #tpu.memory_space<hbm>> -> memref<128x128xf32, #tpu.memory_space<hbm>>
    tpu.enqueue_dma source(%arg10 : memref<128x128xf32, #tpu.memory_space<vmem>>) target(%dma_start3A_104 : memref<128x128xf32, #tpu.memory_space<hbm>>) target_semaphore(%arg20 : memref<!tpu.dma_semaphore, #tpu.memory_space<semaphore_mem>>)
    %add3A_105 = arith.constant 24960 : i32
    %add3A_106 = arith.addi %mul3A_2, %add3A_105 : i32
    %dma_wait3A_107 = arith.constant 0 : i32
    %dma_wait3A_108 = tpu.memref_slice %arg4[%add3A_106, %dma_wait3A_107] : memref<819200x128xf32, #tpu.memory_space<hbm>> -> memref<128x128xf32, #tpu.memory_space<hbm>>
    %dma_wait3A_109 = arith.constant 0 : i32
    %dma_wait3A_110 = tpu.memref_slice %arg4[%add3A_106, %dma_wait3A_109] : memref<819200x128xf32, #tpu.memory_space<hbm>> -> memref<128x128xf32, #tpu.memory_space<hbm>>
    tpu.wait_dma2 semaphore(%arg16 : memref<!tpu.dma_semaphore, #tpu.memory_space<semaphore_mem>>) src(%arg6 : memref<128x128xf32, #tpu.memory_space<vmem>>) dst(%dma_wait3A_110 : memref<128x128xf32, #tpu.memory_space<hbm>>)
    %add3A_111 = arith.constant 25088 : i32
    %add3A_112 = arith.addi %mul3A_2, %add3A_111 : i32
    %dma_wait3A_113 = arith.constant 0 : i32
    %dma_wait3A_114 = tpu.memref_slice %arg4[%add3A_112, %dma_wait3A_113] : memref<819200x128xf32, #tpu.memory_space<hbm>> -> memref<128x128xf32, #tpu.memory_space<hbm>>
    %dma_wait3A_115 = arith.constant 0 : i32
    %dma_wait3A_116 = tpu.memref_slice %arg4[%add3A_112, %dma_wait3A_115] : memref<819200x128xf32, #tpu.memory_space<hbm>> -> memref<128x128xf32, #tpu.memory_space<hbm>>
    tpu.wait_dma2 semaphore(%arg17 : memref<!tpu.dma_semaphore, #tpu.memory_space<semaphore_mem>>) src(%arg7 : memref<128x128xf32, #tpu.memory_space<vmem>>) dst(%dma_wait3A_116 : memref<128x128xf32, #tpu.memory_space<hbm>>)
    %add3A_117 = arith.constant 25216 : i32
    %add3A_118 = arith.addi %mul3A_2, %add3A_117 : i32
    %dma_wait3A_119 = arith.constant 0 : i32
    %dma_wait3A_120 = tpu.memref_slice %arg4[%add3A_118, %dma_wait3A_119] : memref<819200x128xf32, #tpu.memory_space<hbm>> -> memref<128x128xf32, #tpu.memory_space<hbm>>
    %dma_wait3A_121 = arith.constant 0 : i32
    %dma_wait3A_122 = tpu.memref_slice %arg4[%add3A_118, %dma_wait3A_121] : memref<819200x128xf32, #tpu.memory_space<hbm>> -> memref<128x128xf32, #tpu.memory_space<hbm>>
    tpu.wait_dma2 semaphore(%arg18 : memref<!tpu.dma_semaphore, #tpu.memory_space<semaphore_mem>>) src(%arg8 : memref<128x128xf32, #tpu.memory_space<vmem>>) dst(%dma_wait3A_122 : memref<128x128xf32, #tpu.memory_space<hbm>>)
    %add3A_123 = arith.constant 25344 : i32
    %add3A_124 = arith.addi %mul3A_2, %add3A_123 : i32
    %dma_wait3A_125 = arith.constant 0 : i32
    %dma_wait3A_126 = tpu.memref_slice %arg4[%add3A_124, %dma_wait3A_125] : memref<819200x128xf32, #tpu.memory_space<hbm>> -> memref<128x128xf32, #tpu.memory_space<hbm>>
    %dma_wait3A_127 = arith.constant 0 : i32
    %dma_wait3A_128 = tpu.memref_slice %arg4[%add3A_124, %dma_wait3A_127] : memref<819200x128xf32, #tpu.memory_space<hbm>> -> memref<128x128xf32, #tpu.memory_space<hbm>>
    tpu.wait_dma2 semaphore(%arg19 : memref<!tpu.dma_semaphore, #tpu.memory_space<semaphore_mem>>) src(%arg9 : memref<128x128xf32, #tpu.memory_space<vmem>>) dst(%dma_wait3A_128 : memref<128x128xf32, #tpu.memory_space<hbm>>)
    %add3A_129 = arith.constant 25472 : i32
    %add3A_130 = arith.addi %mul3A_2, %add3A_129 : i32
    %dma_wait3A_131 = arith.constant 0 : i32
    %dma_wait3A_132 = tpu.memref_slice %arg4[%add3A_130, %dma_wait3A_131] : memref<819200x128xf32, #tpu.memory_space<hbm>> -> memref<128x128xf32, #tpu.memory_space<hbm>>
    %dma_wait3A_133 = arith.constant 0 : i32
    %dma_wait3A_134 = tpu.memref_slice %arg4[%add3A_130, %dma_wait3A_133] : memref<819200x128xf32, #tpu.memory_space<hbm>> -> memref<128x128xf32, #tpu.memory_space<hbm>>
    tpu.wait_dma2 semaphore(%arg20 : memref<!tpu.dma_semaphore, #tpu.memory_space<semaphore_mem>>) src(%arg10 : memref<128x128xf32, #tpu.memory_space<vmem>>) dst(%dma_wait3A_134 : memref<128x128xf32, #tpu.memory_space<hbm>>)
    return
  }
}

</mosaic_0001>

<sc_bundles>
// kernel: _embedding_gather.3.cloned.1.call-start
scs
__scs_entry_jumppad:
0x0: {  	(pc) =	sbr.rel $0x88, $3  }
0x1: {  	(tag) =	ssettag $0x0;
	lr =	simm.s32 $0x1  }
0x2: {  	[smem:$0x3F9F] =	sst lr;
	_ =	strace $0xD0000000  }
0x3: {  	_ = 	snop  }
0x4: {  	_ = 	snop  }
0x5: {  	_ = 	snop  }
0x6: {  	_ = 	snop  }
0x7: {  	_ = 	snop  }
__scs_overlays_trampoline_lowered:
0x8: {  	[smem:$0x3FAE] =	sst s0  }
0x9: {  	[smem:$0x3FAF] =	sst s1  }
0xa: {  	[smem:$0x3FB0] =	sst s2  }
0xb: {  	[smem:$0x3FB1] =	sst s3  }
0xc: {  	[smem:$0x3FB2] =	sst s4  }
0xd: {  	[smem:$0x3FB3] =	sst s5  }
0xe: {  	[smem:$0x3FB4] =	sst s6  }
0xf: {  	[smem:$0x3FB5] =	sst s7  }
0x10: {  	[smem:$0x3FB6] =	sst s8  }
0x11: {  	[smem:$0x3FB7] =	sst s9;
	s0 =	simm.s32 @!p0 $0x0  }
0x12: {  	s1 =	sld [smem:$0x3F9D];
	s0 =	simm.s32 @p0 $0x1  }
0x13: {  	[smem:$0x3FB8] =	sst s0;
	s0 =	simm.s32 @!p1 $0x0  }
0x14: {  	s2 =	sld [smem:$0x3F9C];
	s0 =	simm.s32 @p1 $0x1  }
0x15: {  	[smem:$0x3FB9] =	sst s0;
	s0 =	simm.s32 @!p2 $0x0  }
0x16: {  	s3 =	sld [smem:$0x3FDB];
	s0 =	simm.s32 @p2 $0x1  }
0x17: {  	s4 =	simm.s32 $0x1BF5;
	[smem:$0x3FBB] =	sst s0  }
0x18: {  	s0 =	sld [smem:$0x3F9E];
	_ =	swait.ge [sflag:s4], $0x0  }
0x19: {  	s7 =	sld [smem:$0x3F9F]  }
0x1a: {  	s8 =	sadd.s32 $0xFFFFE003, lr  }
0x1b: {  	s9 =	sadd.s32 $0xFFFFFEF7, lr;
	s5 =	simm.s32 $0xFFFFFFFF;
	p2 =	slt.u32 s8, $0xFFFFF086  }
0x1c: {  	p1 =	slt.u32 s9, $0xF7A;
	s5 =	simm.s32 @!p2 $0x0  }
0x1d: {  	s5 =	simm.s32 @p1 $0x1;
	p0 =	seq.s32 s7, s2  }
0x1e: {  	s7 =	smul.u32 @!p0 $0xF7A, s2;
	p2 =	seq.s32 @!p0 s5, $0x0  }
0x1f: {  	s9 =	smul.u32 $0xF7A, s1;
	s8 =	simm.s32 @!p0 $0x1BF5;
	p2 =	por !p2, p0  }
0x20: {  	[sflag:s8] =	ssyncset.s32 @!p0 $0xFFFFF086;
	s6 =	sadd.s32 @!p0 s3, s7;
	s7 =	simm.s32 @!p0 $0x108  }
0x21: {  	s3 =	sadd.s32 s3, s9;
	s6 =	sadd.s32 @!p0 $0x88, s6;
	s7 =	simm.s32 @p2 $0x1082  }
0x22: {  	[simem:s7], [sflag:s8] =	dma.local @!p0 [hbm:s6], $0xF7A  }
0x23: {  	s9 =	sor.u32 $0xD0000000, s2;
	s6 =	simm.s32 $0x108;
	_ =	swait.ge @!p0 [sflag:s8], $0x0  }
0x24: {  	s3 =	sadd.s32 $0x88, s3;
	s6 =	simm.s32 @!p1 $0x1082;
	[sflag:s4] =	ssyncset.s32 $0xFFFFF086  }
0x25: {  	[simem:s6], [sflag:s4] =	dma.local [hbm:s3], $0xF7A  }
0x26: {  	[smem:$0x3F9F] =	sst s1;
	(tag) =	ssettag s2;
	_ =	strace s9  }
0x27: {  	s1 =	sld [smem:$0x3FAF]  }
0x28: {  	s2 =	sld [smem:$0x3FB0]  }
0x29: {  	s4 =	sld [smem:$0x3FB2]  }
0x2a: {  	p0 =	seq.s32 s5, $0x0;
	s5 =	sld [smem:$0x3FB3]  }
0x2b: {  	s6 =	sld [smem:$0x3FB4]  }
0x2c: {  	s7 =	sld [smem:$0x3FB5]  }
0x2d: {  	s3 =	simm.s32 $0x108;
	s8 =	sld [smem:$0x3FB6]  }
0x2e: {  	s3 =	simm.s32 @!p0 $0x1082;
	s9 =	sld [smem:$0x3FB7]  }
0x2f: {  	lr =	sadd.s32 s0, s3;
	s0 =	sld [smem:$0x3FAE]  }
0x30: {  	s3 =	sld [smem:$0x3FB1]  }
0x31: {  	[smem:$0x3FBA] =	sst s10  }
0x32: {  	s10 =	sld [smem:$0x3FB8];
	_ =	sdelay $0x3  }
0x33: {  	p0 =	seq.s32 s10, $0x1;
	s10 =	sld [smem:$0x3FBA];
	_ =	sdelay $0x3  }
0x34: {  	[smem:$0x3FBA] =	sst s10  }
0x35: {  	s10 =	sld [smem:$0x3FB9];
	_ =	sdelay $0x3  }
0x36: {  	p1 =	seq.s32 s10, $0x1;
	s10 =	sld [smem:$0x3FBA];
	_ =	sdelay $0x3  }
0x37: {  	[smem:$0x3FBA] =	sst s10  }
0x38: {  	s10 =	sld [smem:$0x3FBB]  }
0x39: {  	_ = 	snop;
	(pc) =	sbr.ind lr, $3  }
0x3a: {  	_ = 	snop  }
0x3b: {  	_ = 	snop  }
0x3c: {  	p2 =	seq.s32 s10, $0x1;
	s10 =	sld [smem:$0x3FBA]  }
0x3d: {  	_ =	shalt  }
0x3e: {  	_ =	shalt  }
0x3f: {  	_ =	shalt  }
0x40: {  	_ =	shalt  }
0x41: {  	_ =	shalt  }
0x42: {  	_ =	shalt  }
0x43: {  	_ =	shalt  }
0x44: {  	_ =	shalt  }
0x45: {  	_ =	shalt  }
0x46: {  	_ =	shalt  }
0x47: {  	_ =	shalt  }
0x48: {  	_ =	shalt  }
0x49: {  	_ =	shalt  }
0x4a: {  	_ =	shalt  }
0x4b: {  	_ =	shalt  }
0x4c: {  	_ =	shalt  }
0x4d: {  	_ =	shalt  }
0x4e: {  	_ =	shalt  }
0x4f: {  	_ =	shalt  }
0x50: {  	_ =	shalt  }
0x51: {  	_ =	shalt  }
0x52: {  	_ =	shalt  }
0x53: {  	_ =	shalt  }
0x54: {  	_ =	shalt  }
0x55: {  	_ =	shalt  }
0x56: {  	_ =	shalt  }
0x57: {  	_ =	shalt  }
0x58: {  	_ =	shalt  }
0x59: {  	_ =	shalt  }
0x5a: {  	_ =	shalt  }
0x5b: {  	_ =	shalt  }
0x5c: {  	_ =	shalt  }
0x5d: {  	_ =	shalt  }
0x5e: {  	_ =	shalt  }
0x5f: {  	_ =	shalt  }
0x60: {  	_ =	shalt  }
0x61: {  	_ =	shalt  }
0x62: {  	_ =	shalt  }
0x63: {  	_ =	shalt  }
0x64: {  	_ =	shalt  }
0x65: {  	_ =	shalt  }
0x66: {  	_ =	shalt  }
0x67: {  	_ =	shalt  }
0x68: {  	_ =	shalt  }
0x69: {  	_ =	shalt  }
0x6a: {  	_ =	shalt  }
0x6b: {  	_ =	shalt  }
0x6c: {  	_ =	shalt  }
0x6d: {  	_ =	shalt  }
0x6e: {  	_ =	shalt  }
0x6f: {  	_ =	shalt  }
0x70: {  	_ =	shalt  }
0x71: {  	_ =	shalt  }
0x72: {  	_ =	shalt  }
0x73: {  	_ =	shalt  }
0x74: {  	_ =	shalt  }
0x75: {  	_ =	shalt  }
0x76: {  	_ =	shalt  }
0x77: {  	_ =	shalt  }
0x78: {  	_ =	shalt  }
0x79: {  	_ =	shalt  }
0x7a: {  	_ =	shalt  }
0x7b: {  	_ =	shalt  }
0x7c: {  	_ =	shalt  }
0x7d: {  	_ =	shalt  }
0x7e: {  	_ =	shalt  }
0x7f: {  	_ =	shalt  }
0x80: {  	_ =	shalt  }
0x81: {  	_ =	shalt  }
0x82: {  	_ =	shalt  }
0x83: {  	_ =	shalt  }
0x84: {  	_ =	shalt  }
0x85: {  	_ =	shalt  }
0x86: {  	_ =	shalt  }
0x87: {  	_ =	shalt  }
.Lfunc_end0:
.L_simem_size_0:
called_computation_lowered:
.L_overlay_start_0:
0x88: {  	s2 =	sld [smem:$0x3FD9]  }
0x89: {  	s3 =	sld [smem:$0x3FFE];
	_ =	sdelay $0x1  }
0x8a: {  	s1 =	srdreg.scid  }
0x8b: {  	s0 =	sand.u32 $0x1, s1  }
0x8c: {  	s18 =	sshll.u32 s0, $0xA;
	s2 =	sadd.s32 s3, s2  }
0x8d: {  	s2 =	sadd.s32 s2, s18  }
0x8e: {  	[smem:$0x3FC6] =	sst s2  }
0x8f: {  	_ = 	snop  }
0x90: {  	s2 =	sld [smem:$0x3FC9]  }
0x91: {  	s19 =	sld [smem:$0x3FC8]  }
0x92: {  	s4 =	sld [smem:$0x3FD0];
	(tm) =	ssettm $0x1  }
0x93: {  	s5 =	sld [smem:$0x3FFB];
	_ =	sdelay $0x3  }
0x94: {  	_ =	strace s5  }
0x95: {  	s5 =	sld [smem:$0x3FFC];
	_ =	sdelay $0x3  }
0x96: {  	_ =	strace s5  }
0x97: {  	s5 =	sld [smem:$0x3FFD];
	_ =	sdelay $0x3  }
0x98: {  	_ =	strace s5  }
0x99: {  	_ =	strace $0x8FFFFFFF  }
0x9a: {  	s20 =	sld [smem:$0x3FDB];
	_ =	sdelay $0x1  }
0x9b: {  	s6 =	simm.s32 $_scs_section_size  }
0x9c: {  	s7 =	simm.s32 $_size__tile_overlayer_lowered;
	s8 =	simm.s32 $_tile_overlayer_lowered  }
0x9d: {  	s23 =	simm.s32 $0x1BFF;
	s22 =	sshll.u32 s8, $0x1;
	s5 =	sadd.s32 s6, s20  }
0x9e: {  	s9 =	simm.s32 $0x0;
	s21 =	sshll.u32 s7, $0x1;
	s7 =	sadd.s32 s22, s5  }
0x9f: {  	[timem:s9], [sflag:s23] =	dma.local [hbm:s7], s21  }
0xa0: {  	_ =	swait.ge [sflag:s23], s21  }
0xa1: {  	s6 =	ssub.s32 $0x0, s21;
	[sflag:s23] =	ssyncset.done $0x0  }
0xa2: {  	[sflag:s23] =	ssyncadd.s32 s6;
	_ =	sdelay $0x1  }
0xa3: {  	s24 =	simm.s32 $0x1B8B  }
0xa4: {  	_ =	swait.ge [sflag:s24], $0x1  }
0xa5: {  	[sflag:s24] =	ssyncset.done $0x0  }
0xa6: {  	s25 =	simm.s32 $0x1B8E;
	[sflag:s24] =	ssyncadd.s32 $0xFFFFFFFF  }
0xa7: {  	s26 =	simm.s32 $execute0_lowered;
	[smem:$0x3FD2] =	sst s25  }
0xa8: {  	s6 =	sshll.u32 s26, $0x1;
	_ =	strace $0x80000046;
	[dreg:$0x1] =	wrdreg $0xFFFFFFFF  }
0xa9: {  	s28 =	simm.s32 $_size_execute0_lowered;
	s5 =	sadd.s32 s5, s6;
	[dreg:$0x0] =	wrdreg $0x0  }
0xaa: {  	s6 =	sshll.u32 s28, $0x1;
	[dreg:$0x2] =	wrdreg s5  }
0xab: {  	[dreg:$0x3] =	wrdreg s6  }
0xac: {  	[dreg:$0x4] =	wrdreg $0xC0  }
0xad: {  	_ =	task [dreg:s9], $0x5FFFF  }
0xae: {  	[dreg:$0x1] =	wrdreg $0xFFFFFFFF  }
0xaf: {  	[dreg:$0x0] =	wrdreg $0x60  }
0xb0: {  	[dreg:$0x2] =	wrdreg s2  }
0xb1: {  	[dreg:$0x3] =	wrdreg s19  }
0xb2: {  	[dreg:$0x4] =	wrdreg s4  }
0xb3: {  	[dreg:$0x5] =	wrdreg $0x9  }
0xb4: {  	_ =	task.clear_ibuf [dreg:s9], $0x6FFFF;
	_ =	strace $0x90000046  }
0xb5: {  	s29 =	simm.s32 $0x9;
	_ =	strace $0x80000048  }
0xb6: {  	_ =	swait.ge [sflag:s29], $0x1  }
0xb7: {  	[sflag:s29] =	ssyncadd.s32 $0xFFFFFFFF  }
0xb8: {  	_ =	strace $0x90000048  }
0xb9: {  	_ =	sfence  }
0xba: {  	s30 =	sld [smem:$0x0];
	_ =	sdelay $0x2  }
0xbb: {  	s31 =	sshll.u32 s1, $0xD;
	s1 =	sshrl.u32 s1, $0x2  }
0xbc: {  	s3 =	sand.u32 $0x4000, s31;
	s1 =	sadd.s32 s1, s30  }
0xbd: {  	s0 =	sor.u32 s3, s0;
	s1 =	sshll.u32 s1, $0x11  }
0xbe: {  	s0 =	sor.u32 s1, s0  }
0xbf: {  	s0 =	sadd.s32 $0x8F2B, s0  }
0xc0: {  	[sflag:s0] =	ssyncadd.remote.s32 $0x1  }
0xc1: {  	_ =	sfence.sel $0xFFFF  }
0xc2: {  	[dreg:$0x0] =	wrdreg $0xFFFFFFFF;
	(pc) =	sbr.abs _section_cstart, $3  }
0xc3: {  	[dreg:$0x1] =	wrdreg $0xFFFFFFFF  }
0xc4: {  	_ =	task.clear_ibuf [dreg:s9], $0x2FFFF;
	_ =	strace $0x9FFFFFFF  }
0xc5: {  	(tm) =	ssettm $0x7FFFFFFF  }
tec
execute0_lowered:
.L_overlay_start_1:
0x0: {  	(tag) =	ssettag $0x1  }
0x1: {  	s0 =	rddreg [dreg:$0x0]  }
0x2: {  	s2 =	rddreg [dreg:$0x1]  }
0x3: {  	s1 =	rddreg [dreg:$0x2];
	s3 =	srdreg.scid  }
0x4: {  	s11 =	stileid.u32;
	s12 =	simm.s32 $0x80;
	s14 =	simm.s32 $0xB  }
0x5: {  	s15 =	simm.s32 $0x6400;
	s16 =	simm.s32 $0xA400;
	s17 =	simm.s32 $0x1  }
0x6: {  	s19 =	simm.s32 $0xE400;
	s20 =	simm.s32 $0x2;
	s28 =	simm.s32 $0x6  }
0x7: {  	s29 =	simm.s32 $0x5;
	s30 =	simm.s32 $0x7;
	s31 =	simm.s32 $0x8  }
0x8: {  	s13 =	simm.s32 $0x0;
	s7 =	sand.u32 $0x1, s3;
	s4 =	sshll.u32 s11, $0x1  }
0x9: {  	s3 =	simm.s32 $0x0;
	s5 =	sshrl.u32 s11, $0x2;
	s24 =	smul.u32 $0xC8000, s11  }
0xa: {  	s4 =	sor.u32 s7, s4;
	[smem:$0x7FF] =	sst s3;
	s5 =	smul.u32 $0x32000, s5  }
0xb: {  	s8 =	ssub.s32 $0x2, s7;
	s25 =	smul.u32 $0x64000, s7;
	s6 =	sshll.u32 s4, $0x7  }
0xc: {  	_ =	strace $0x80000047;
	s9 =	sshrl.u32 s8, $0x1;
	s23 =	smul.u32 $0x320000, s4  }
0xd: {  	s22 =	smul.u32 $0x64000, s4;
	s6 =	sand.u32 $0x380, s6;
	s10 =	ssub.s32 s8, s9  }
0xe: {  	s5 =	sor.u32 s5, s6;
	s8 =	sshrl.u32 s23, $0x3;
	s10 =	smax.u32 s10, $0x1  }
0xf: {  	s23 =	simm.s32 $0x3;
	s5 =	sshrl.u32 s5, $0x3;
	s26 =	sadd.s32 s1, s8  }
0x10: {  	s0 =	sadd.s32 s0, s5;
	s5 =	sadd.s32 s1, s22;
	s9 =	sadd.s32 $0x63800, s26  }
0x11: {  	s22 =	simm.s32 $0x12400;
	s26 =	simm.s32 $0x4;
	[dreg:$0x4] =	wrdreg s0  }
0x12: {  	s6 =	sadd.s32 $0x800, s5;
	s7 =	sadd.s32 $0x1000, s5;
	s0 =	sadd.s32 s24, s1  }
0x13: {  	s8 =	sadd.s32 $0x1800, s5;
	s1 =	simm.s32 $0xA;
	s0 =	sadd.s32 s25, s0  }
0x14: {  	s25 =	simm.s32 $0x16400;
	s11 =	sadd.s32 $0x2000, s0;
	s0 =	simm.s32 $0x9  }
.LBB2_1:
0x15: {  	s4 =	rddreg [dreg:$0x4];
	s18 =	simm.s32 $0x400  }
0x16: {  	[tilespmem:s3], [sflag:$0xB] =	stream.strided.gather [hbm4b:s4+s12], $0x6400, s18, s12, $0x38;
	[tilespmem:$0x1A400] =	vst v63  }
0x17: {  	_ =	swait.ge [sflag:s14], $0x6400  }
0x18: {  	[sflag:s14] =	ssyncset.done $0x0  }
0x19: {  	[sflag:s14] =	ssyncadd.s32 $0xFFFF9C00  }
0x1a: {  	[tilespmem:s15], [sflag:$0x1] =	stream.indirect.gather [hbm4b:s2+s12], $0x80, s3, s12, $0xb8;
	[tilespmem:$0x1A400] =	vst v63  }
0x1b: {  	_ = 	snop  }
0x1c: {  	[tilespmem:s16], [sflag:$0x2] =	stream.indirect.gather [hbm4b:s2+s12], $0x80, s12, s12, $0xb8;
	[tilespmem:$0x1A400] =	vst v63  }
0x1d: {  	_ =	swait.ge [sflag:s17], $0x4000  }
0x1e: {  	[sflag:s17] =	ssyncset.done $0x0  }
0x1f: {  	[sflag:s17] =	ssyncadd.s32 $0xFFFFC000  }
0x20: {  	[hbm4b:s5+s3] =	stream.linear.scatter [tilespmem:s15], [sflag:$0x6], $0x4000, $0x38;
	[tilespmem:$0x1A400] =	vst v63  }
0x21: {  	s21 =	simm.s32 $0x100  }
0x22: {  	[tilespmem:s19], [sflag:$0x3] =	stream.indirect.gather [hbm4b:s2+s12], $0x80, s21, s12, $0xb8;
	[tilespmem:$0x1A400] =	vst v63  }
0x23: {  	_ =	swait.ge [sflag:s20], $0x4000  }
0x24: {  	[sflag:s20] =	ssyncset.done $0x0  }
0x25: {  	[sflag:s20] =	ssyncadd.s32 $0xFFFFC000  }
0x26: {  	[hbm4b:s6+s3] =	stream.linear.scatter [tilespmem:s16], [sflag:$0x7], $0x4000, $0x38;
	[tilespmem:$0x1A400] =	vst v63  }
0x27: {  	s24 =	simm.s32 $0x180  }
0x28: {  	[tilespmem:s22], [sflag:$0x4] =	stream.indirect.gather [hbm4b:s2+s12], $0x80, s24, s12, $0xb8;
	[tilespmem:$0x1A400] =	vst v63  }
0x29: {  	_ =	swait.ge [sflag:s23], $0x4000  }
0x2a: {  	[sflag:s23] =	ssyncset.done $0x0  }
0x2b: {  	[sflag:s23] =	ssyncadd.s32 $0xFFFFC000  }
0x2c: {  	[hbm4b:s7+s3] =	stream.linear.scatter [tilespmem:s19], [sflag:$0x8], $0x4000, $0x38;
	[tilespmem:$0x1A400] =	vst v63  }
0x2d: {  	s18 =	simm.s32 $0x200  }
0x2e: {  	[tilespmem:s25], [sflag:$0x5] =	stream.indirect.gather [hbm4b:s2+s12], $0x80, s18, s12, $0xb8;
	[tilespmem:$0x1A400] =	vst v63  }
0x2f: {  	_ =	swait.ge [sflag:s26], $0x4000  }
0x30: {  	[sflag:s26] =	ssyncset.done $0x0  }
0x31: {  	[sflag:s26] =	ssyncadd.s32 $0xFFFFC000  }
0x32: {  	[hbm4b:s8+s3] =	stream.linear.scatter [tilespmem:s22], [sflag:$0x9], $0x4000, $0x38;
	[tilespmem:$0x1A400] =	vst v63  }
0x33: {  	_ =	swait.ge [sflag:s28], $0x4000  }
0x34: {  	[sflag:s28] =	ssyncset.done $0x0  }
0x35: {  	s21 =	simm.s32 $0x280;
	[sflag:s28] =	ssyncadd.s32 $0xFFFFC000  }
0x36: {  	[tilespmem:s15], [sflag:$0x1] =	stream.indirect.gather [hbm4b:s2+s12], $0x80, s21, s12, $0xb8;
	[tilespmem:$0x1A400] =	vst v63  }
0x37: {  	_ =	swait.ge [sflag:s29], $0x4000  }
0x38: {  	[sflag:s29] =	ssyncset.done $0x0  }
0x39: {  	[sflag:s29] =	ssyncadd.s32 $0xFFFFC000  }
0x3a: {  	[hbm4b:s11+s3] =	stream.linear.scatter [tilespmem:s25], [sflag:$0xA], $0x4000, $0x38;
	[tilespmem:$0x1A400] =	vst v63  }
0x3b: {  	_ =	swait.ge [sflag:s30], $0x4000  }
0x3c: {  	[sflag:s30] =	ssyncset.done $0x0  }
0x3d: {  	s24 =	simm.s32 $0x300;
	[sflag:s30] =	ssyncadd.s32 $0xFFFFC000  }
0x3e: {  	[tilespmem:s16], [sflag:$0x2] =	stream.indirect.gather [hbm4b:s2+s12], $0x80, s24, s12, $0xb8;
	[tilespmem:$0x1A400] =	vst v63  }
0x3f: {  	_ =	swait.ge [sflag:s17], $0x4000  }
0x40: {  	[sflag:s17] =	ssyncset.done $0x0  }
0x41: {  	s4 =	sadd.s32 $0x800, s11;
	[sflag:s17] =	ssyncadd.s32 $0xFFFFC000  }
0x42: {  	[hbm4b:s4+s3] =	stream.linear.scatter [tilespmem:s15], [sflag:$0x6], $0x4000, $0x38;
	[tilespmem:$0x1A400] =	vst v63  }
0x43: {  	_ =	swait.ge [sflag:s31], $0x4000  }
0x44: {  	[sflag:s31] =	ssyncset.done $0x0  }
0x45: {  	s21 =	simm.s32 $0x380;
	[sflag:s31] =	ssyncadd.s32 $0xFFFFC000  }
0x46: {  	[tilespmem:s19], [sflag:$0x3] =	stream.indirect.gather [hbm4b:s2+s12], $0x80, s21, s12, $0xb8;
	[tilespmem:$0x1A400] =	vst v63  }
0x47: {  	_ =	swait.ge [sflag:s20], $0x4000  }
0x48: {  	[sflag:s20] =	ssyncset.done $0x0  }
0x49: {  	s24 =	sadd.s32 $0x1000, s11;
	[sflag:s20] =	ssyncadd.s32 $0xFFFFC000  }
0x4a: {  	[hbm4b:s24+s3] =	stream.linear.scatter [tilespmem:s16], [sflag:$0x7], $0x4000, $0x38;
	[tilespmem:$0x1A400] =	vst v63  }
0x4b: {  	_ =	swait.ge [sflag:s0], $0x4000  }
0x4c: {  	[sflag:s0] =	ssyncset.done $0x0  }
0x4d: {  	s4 =	simm.s32 $0x400;
	[sflag:s0] =	ssyncadd.s32 $0xFFFFC000  }
0x4e: {  	[tilespmem:s22], [sflag:$0x4] =	stream.indirect.gather [hbm4b:s2+s12], $0x80, s4, s12, $0xb8;
	[tilespmem:$0x1A400] =	vst v63  }
0x4f: {  	_ =	swait.ge [sflag:s23], $0x4000  }
0x50: {  	[sflag:s23] =	ssyncset.done $0x0  }
0x51: {  	s21 =	sadd.s32 $0x1800, s11;
	[sflag:s23] =	ssyncadd.s32 $0xFFFFC000  }
0x52: {  	[hbm4b:s21+s3] =	stream.linear.scatter [tilespmem:s19], [sflag:$0x8], $0x4000, $0x38;
	[tilespmem:$0x1A400] =	vst v63  }
0x53: {  	_ =	swait.ge [sflag:s1], $0x4000  }
0x54: {  	[sflag:s1] =	ssyncset.done $0x0  }
0x55: {  	s24 =	simm.s32 $0x480;
	[sflag:s1] =	ssyncadd.s32 $0xFFFFC000  }
0x56: {  	[tilespmem:s25], [sflag:$0x5] =	stream.indirect.gather [hbm4b:s2+s12], $0x80, s24, s12, $0xb8;
	[tilespmem:$0x1A400] =	vst v63  }
0x57: {  	_ =	swait.ge [sflag:s26], $0x4000  }
0x58: {  	s18 =	simm.s32 $0xA00;
	[sflag:s26] =	ssyncset.done $0x0  }
0x59: {  	s21 =	sadd.s32 $0x2800, s11;
	s24 =	sadd.s32 $0x2000, s11;
	[sflag:s26] =	ssyncadd.s32 $0xFFFFC000  }
.LBB2_2:
0x5a: {  	[hbm4b:s24+s3] =	stream.linear.scatter [tilespmem:s22], [sflag:$0x9], $0x4000, $0x38;
	[tilespmem:$0x1A400] =	vst v63  }
0x5b: {  	s24 =	smov.u32 s18  }
0x5c: {  	p0 =	sne.s32 s18, $0x17C00;
	s18 =	sadd.s32 $0xA00, s18;
	_ =	swait.ge [sflag:s28], $0x4000  }
0x5d: {  	s24 =	sshra.s32 s24, $0x2;
	[sflag:s28] =	ssyncset.done $0x0  }
0x5e: {  	s4 =	sadd.s32 $0x280, s24;
	[sflag:s28] =	ssyncadd.s32 $0xFFFFC000  }
0x5f: {  	[tilespmem:s15], [sflag:$0x1] =	stream.indirect.gather [hbm4b:s2+s12], $0x80, s4, s12, $0xb8;
	[tilespmem:$0x1A400] =	vst v63  }
0x60: {  	_ =	swait.ge [sflag:s29], $0x4000  }
0x61: {  	[sflag:s29] =	ssyncset.done $0x0  }
0x62: {  	[sflag:s29] =	ssyncadd.s32 $0xFFFFC000  }
0x63: {  	[hbm4b:s21+s3] =	stream.linear.scatter [tilespmem:s25], [sflag:$0xA], $0x4000, $0x38;
	[tilespmem:$0x1A400] =	vst v63  }
0x64: {  	_ =	swait.ge [sflag:s30], $0x4000  }
0x65: {  	[sflag:s30] =	ssyncset.done $0x0  }
0x66: {  	s4 =	sadd.s32 $0x300, s24;
	[sflag:s30] =	ssyncadd.s32 $0xFFFFC000  }
0x67: {  	[tilespmem:s16], [sflag:$0x2] =	stream.indirect.gather [hbm4b:s2+s12], $0x80, s4, s12, $0xb8;
	[tilespmem:$0x1A400] =	vst v63  }
0x68: {  	_ =	swait.ge [sflag:s17], $0x4000  }
0x69: {  	[sflag:s17] =	ssyncset.done $0x0  }
0x6a: {  	s4 =	sadd.s32 $0x800, s21;
	[sflag:s17] =	ssyncadd.s32 $0xFFFFC000  }
0x6b: {  	[hbm4b:s4+s3] =	stream.linear.scatter [tilespmem:s15], [sflag:$0x6], $0x4000, $0x38;
	[tilespmem:$0x1A400] =	vst v63  }
0x6c: {  	_ =	swait.ge [sflag:s31], $0x4000  }
0x6d: {  	[sflag:s31] =	ssyncset.done $0x0  }
0x6e: {  	s4 =	sadd.s32 $0x380, s24;
	[sflag:s31] =	ssyncadd.s32 $0xFFFFC000  }
0x6f: {  	[tilespmem:s19], [sflag:$0x3] =	stream.indirect.gather [hbm4b:s2+s12], $0x80, s4, s12, $0xb8;
	[tilespmem:$0x1A400] =	vst v63  }
0x70: {  	_ =	swait.ge [sflag:s20], $0x4000  }
0x71: {  	[sflag:s20] =	ssyncset.done $0x0  }
0x72: {  	s4 =	sadd.s32 $0x1000, s21;
	[sflag:s20] =	ssyncadd.s32 $0xFFFFC000  }
0x73: {  	[hbm4b:s4+s3] =	stream.linear.scatter [tilespmem:s16], [sflag:$0x7], $0x4000, $0x38;
	[tilespmem:$0x1A400] =	vst v63  }
0x74: {  	_ =	swait.ge [sflag:s0], $0x4000  }
0x75: {  	[sflag:s0] =	ssyncset.done $0x0  }
0x76: {  	s4 =	sadd.s32 $0x400, s24;
	[sflag:s0] =	ssyncadd.s32 $0xFFFFC000  }
0x77: {  	[tilespmem:s22], [sflag:$0x4] =	stream.indirect.gather [hbm4b:s2+s12], $0x80, s4, s12, $0xb8;
	[tilespmem:$0x1A400] =	vst v63  }
0x78: {  	_ =	swait.ge [sflag:s23], $0x4000  }
0x79: {  	[sflag:s23] =	ssyncset.done $0x0  }
0x7a: {  	s4 =	sadd.s32 $0x1800, s21;
	[sflag:s23] =	ssyncadd.s32 $0xFFFFC000  }
0x7b: {  	[hbm4b:s4+s3] =	stream.linear.scatter [tilespmem:s19], [sflag:$0x8], $0x4000, $0x38;
	[tilespmem:$0x1A400] =	vst v63  }
0x7c: {  	_ =	swait.ge [sflag:s1], $0x4000  }
0x7d: {  	[sflag:s1] =	ssyncset.done $0x0  }
.Ltmp0:
0x7e: {  	s4 =	sadd.s32 $0x480, s24;
	[sflag:s1] =	ssyncadd.s32 $0xFFFFC000;
	(pc) =	sbr.rel @p0 .LBB2_2-.Ltmp0, $4  }
0x7f: {  	[tilespmem:s25], [sflag:$0x5] =	stream.indirect.gather [hbm4b:s2+s12], $0x80, s4, s12, $0xb8;
	[tilespmem:$0x1A400] =	vst v63  }
0x80: {  	_ =	swait.ge [sflag:s26], $0x4000  }
0x81: {  	[sflag:s26] =	ssyncset.done $0x0  }
0x82: {  	s24 =	sadd.s32 $0x2000, s21;
	s21 =	sadd.s32 $0x2800, s21;
	[sflag:s26] =	ssyncadd.s32 $0xFFFFC000  }
0x83: {  	[hbm4b:s24+s3] =	stream.linear.scatter [tilespmem:s22], [sflag:$0x9], $0x4000, $0x38;
	[tilespmem:$0x1A400] =	vst v63  }
0x84: {  	_ =	swait.ge [sflag:s29], $0x4000  }
0x85: {  	[sflag:s29] =	ssyncset.done $0x0  }
0x86: {  	[sflag:s29] =	ssyncadd.s32 $0xFFFFC000  }
0x87: {  	[hbm4b:s9+s3] =	stream.linear.scatter [tilespmem:s25], [sflag:$0xA], $0x4000, $0x38;
	[tilespmem:$0x1A400] =	vst v63  }
0x88: {  	_ =	swait.ge [sflag:s28], $0x4000  }
0x89: {  	[sflag:s28] =	ssyncset.done $0x0  }
0x8a: {  	[sflag:s28] =	ssyncadd.s32 $0xFFFFC000  }
0x8b: {  	_ =	swait.ge [sflag:s30], $0x4000  }
0x8c: {  	[sflag:s30] =	ssyncset.done $0x0  }
0x8d: {  	[sflag:s30] =	ssyncadd.s32 $0xFFFFC000  }
0x8e: {  	_ =	swait.ge [sflag:s31], $0x4000  }
0x8f: {  	[sflag:s31] =	ssyncset.done $0x0  }
0x90: {  	s13 =	sadd.s32 $0x1, s13;
	[sflag:s31] =	ssyncadd.s32 $0xFFFFC000  }
0x91: {  	p0 =	sne.s32 s13, s10;
	_ =	swait.ge [sflag:s0], $0x4000  }
.Ltmp1:
0x92: {  	[sflag:s0] =	ssyncset.done $0x0;
	(pc) =	sbr.rel @p0 .LBB2_1-.Ltmp1, $4  }
0x93: {  	[sflag:s0] =	ssyncadd.s32 $0xFFFFC000  }
0x94: {  	_ =	swait.ge [sflag:s1], $0x4000  }
0x95: {  	[sflag:s1] =	ssyncset.done $0x0  }
0x96: {  	[sflag:s1] =	ssyncadd.s32 $0xFFFFC000  }
0x97: {  	_ =	sfence.sel $0x180000  }
0x98: {  	[bflag:$0x0] =	sbarrier.arrive $0xFFFF  }
0x99: {  	_ =	strace $0x90000047  }
0x9a: {  	s0 =	stileid.u32;
	[bflag:$0x2] =	sbarrier.arrive $0xFFFF  }
0x9b: {  	p0 =	sne.s32 s0, $0x0;
	s0 =	rddreg [dreg:$0x3]  }
0x9c: {  	s0 =	sadd.s32 @!p0 $0x100000, s0  }
0x9d: {  	[sflag:s0] =	ssyncadd.tile.s32 @!p0 $0x1;
	_ =	shalt  }
.Lfunc_end2:
_tile_overlayer_lowered:
.L_overlay_start_2:
0x9e: {  	(tag) =	ssettag $0x2  }
0x9f: {  	s0 =	rddreg [dreg:$0x0];
	s2 =	stileid.u32  }
0xa0: {  	s1 =	rddreg [dreg:$0x1];
	p0 =	sne.s32 s2, $0x0  }
0xa1: {  	s3 =	rddreg [dreg:$0x2];
	[bflag:$0x3] =	sbarrier.arrive $0xFFFF;
	s2 =	simm.s32 @!p0 $0x1C0B  }
0xa2: {  	[timem:s3], [sflag:s2] =	dma.local @!p0 [hbm:s0], s1  }
0xa3: {  	s0 =	simm.s32 @!p0 $0xB  }
0xa4: {  	_ =	swait.ge @!p0 [sflag:s0], s1  }
0xa5: {  	s1 =	ssub.s32 @!p0 $0x0, s1;
	[sflag:s0] =	ssyncset.done @!p0 $0x0  }
0xa6: {  	[sflag:s0] =	ssyncadd.s32 @!p0 s1  }
0xa7: {  	[bflag:$0x3] =	sbarrier.arrive $0xFFFF  }
0xa8: {  	_ =	shalt  }

</sc_bundles>
